<compile_context>
chip_gen: v7x
topology: tpu7x:2x2x1
jax: 0.10.2.dev20260603
libtpu: 0.0.44.dev20260713+nightly
codegen_flags: <defaults>
</compile_context>

<pallas_src>
import functools

import jax
import jax.numpy as jnp
from jax import lax
from jax.experimental import pallas as pl
from jax.experimental.pallas import tpu as pltpu
from jax.experimental.pallas import tpu_sc as plsc

B = 128
NU = 1001
L = 16
NW = B // L
M_MINUS_1 = 999.0

_mesh = plsc.VectorSubcoreMesh(
    core_axis_name="c", subcore_axis_name="s", num_cores=1, num_subcores=16
)


@functools.partial(
    pl.kernel,
    out_type=(
        jax.ShapeDtypeStruct((B,), jnp.float32),
        jax.ShapeDtypeStruct((B,), jnp.float32),
        jax.ShapeDtypeStruct((B,), jnp.float32),
    ),
    mesh=_mesh,
    scratch_types=[
        pltpu.VMEM((NU,), jnp.float32),
        pltpu.VMEM((L,), jnp.float32),
        pltpu.VMEM((L,), jnp.float32),
        pltpu.VMEM((L,), jnp.float32),
        pltpu.VMEM((L,), jnp.float32),
        pltpu.SemaphoreType.DMA,
    ],
    compiler_params=pltpu.CompilerParams(needs_layout_passes=False),
)
def _precond_sc(sigma_hbm, u_hbm, cout_hbm, cin_hbm, cnoise_hbm,
                u_v, sig_v, cout_v, cin_v, cnoise_v, sem):
    wid = lax.axis_index("s")

    @pl.when(wid < NW)
    def _():
        base = wid * L
        cp_u = pltpu.async_copy(u_hbm, u_v, sem)
        cp_s = pltpu.async_copy(sigma_hbm.at[pl.ds(base, L)], sig_v, sem)
        cp_u.wait()
        cp_s.wait()
        sig = sig_v[...]

        cout_v[...] = -sig
        cp0 = pltpu.async_copy(cout_v, cout_hbm.at[pl.ds(base, L)], sem)

        z = sig * sig + 1.0
        yi = jnp.int32(0x5F3759DF) - jnp.right_shift(plsc.bitcast(z, jnp.int32), 1)
        y = plsc.bitcast(yi, jnp.float32)
        for _ in range(4):
            y = y * (1.5 - 0.5 * z * y * y)
        cin_v[...] = y
        cp1 = pltpu.async_copy(cin_v, cin_hbm.at[pl.ds(base, L)], sem)

        lo = jnp.zeros((L,), jnp.int32)
        hi = jnp.full((L,), NU, jnp.int32)
        for _ in range(10):
            mid = jnp.right_shift(lo + hi, 1)
            go_right = plsc.load_gather(u_v, [mid]) > sig
            lo = jnp.where(go_right, mid + 1, lo)
            hi = jnp.where(go_right, hi, mid)

        jl = jnp.maximum(lo - 1, 0)
        jr = jnp.minimum(lo, NU - 1)
        dl = plsc.load_gather(u_v, [jl]) - sig
        dr = sig - plsc.load_gather(u_v, [jr])
        idx = jnp.where(dl <= dr, jl, jr)

        cnoise_v[...] = M_MINUS_1 - idx.astype(jnp.float32)
        cp2 = pltpu.async_copy(cnoise_v, cnoise_hbm.at[pl.ds(base, L)], sem)
        cp0.wait()
        cp1.wait()
        cp2.wait()


def kernel(x, sigma, u):
    del x
    c_out, c_in, c_noise = _precond_sc(sigma.astype(jnp.float32),
                                       u.astype(jnp.float32))
    shape = (B, 1, 1, 1)
    return (
        jnp.float32(1.0),
        c_out.reshape(shape),
        c_in.reshape(shape),
        c_noise.reshape(shape),
    )

# --- scband reference (transcript-rebuilt; emitter-appended) ---
"""Pipeline reference for scband-i-ddpmprecond-5042291605760 (READ-ONLY COPY).

The authoritative reference and input builder live on the scoring server;
editing this copy changes nothing except your own understanding.
"""

import jax, jax.numpy as jnp
import numpy as np

C_1 = 0.001
C_2 = 0.008
M = 1000


def _alpha_bar(j):
    return np.sin(0.5 * np.pi * j / M / (C_2 + 1)) ** 2


def _build_u():
    u = np.zeros(M + 1, dtype=np.float64)
    for j in range(M, 0, -1):
        ratio = max(_alpha_bar(j - 1) / _alpha_bar(j), C_1)
        u[j - 1] = np.sqrt((u[j] ** 2 + 1) / ratio - 1)
    return u.astype(np.float32)


def setup_inputs(seed: int = 0) -> dict:
    key = jax.random.key(seed)
    k1, k2 = jax.random.split(key)
    x = jax.random.normal(k1, (128, 4, 64, 64), dtype=jnp.float32)
    sigma = jax.random.uniform(k2, (128,), dtype=jnp.float32)
    u = jnp.asarray(_build_u())
    return {"x": x, "sigma": sigma, "u": u}


def reference(x, sigma, u):
    # iDDPMPrecond.forward: compute preconditioning coefficients.
    sigma = sigma.astype(jnp.float32).reshape(-1, 1, 1, 1)
    c_skip = jnp.float32(1.0)
    c_out = -sigma
    c_in = 1.0 / jnp.sqrt(sigma ** 2 + 1.0)
    # round_sigma(sigma, return_index=True): 1-D nearest-neighbor search vs u table
    # torch.cdist on trailing dim 1 == |a - b|; argmin over keys.
    s_flat = sigma.reshape(-1)
    dist = jnp.abs(s_flat[:, None] - u[None, :])  # [B, M+1]
    index = jnp.argmin(dist, axis=1)  # [B]
    c_noise = (M - 1) - index.reshape(sigma.shape).astype(jnp.float32)
    return (c_skip, c_out, c_in, c_noise)

if __name__ == "__main__":
    import jax
    _d = setup_inputs()
    print(jax.jit(kernel)(*tuple(_d.values())))

</pallas_src>

<mosaic_0001>
#map = affine_map<(d0, d1) -> (0)>
module attributes {stable_mosaic.version = 14 : i64} {
  func.func @_precond_sc(%arg0: i32, %arg1: i32, %arg2: memref<128xf32, #tpu.memory_space<hbm>>, %arg3: memref<1001xf32, #tpu.memory_space<hbm>>, %arg4: memref<128xf32, #tpu.memory_space<hbm>>, %arg5: memref<128xf32, #tpu.memory_space<hbm>>, %arg6: memref<128xf32, #tpu.memory_space<hbm>>, %arg7: memref<1001xf32, #tpu.memory_space<vmem>>, %arg8: memref<16xf32, #tpu.memory_space<vmem>>, %arg9: memref<16xf32, #tpu.memory_space<vmem>>, %arg10: memref<16xf32, #tpu.memory_space<vmem>>, %arg11: memref<16xf32, #tpu.memory_space<vmem>>, %arg12: memref<!tpu.dma_semaphore, #tpu.memory_space<semaphore_mem>>) attributes {dimension_semantics = [#tpu.dimension_semantics<core_parallel>, #tpu.dimension_semantics<subcore_parallel>], iteration_bounds = array<i64: 1, 16>, scalar_prefetch = 0 : i64, scratch_operands = 6 : i64, tpu.core_type = #tpu.core_type<sc_vector_subcore>, window_params = [{transform_indices = #map}, {transform_indices = #map}, {transform_indices = #map}, {transform_indices = #map}, {transform_indices = #map}]} {
    %lt3A = arith.constant 8 : i32
    %lt3A_0 = arith.cmpi slt, %arg1, %lt3A : i32
    %convert_element_type3A = arith.extui %lt3A_0 : i1 to i32
    %cond3A = arith.constant 0 : i32
    %cond3A_1 = arith.cmpi ne, %convert_element_type3A, %cond3A : i32
    scf.if %cond3A_1 {
      %mul3A = arith.constant 16 : i32
      %mul3A_2 = arith.muli %arg1, %mul3A : i32
      tpu.enqueue_dma source(%arg3 : memref<1001xf32, #tpu.memory_space<hbm>>) target(%arg7 : memref<1001xf32, #tpu.memory_space<vmem>>) target_semaphore(%arg12 : memref<!tpu.dma_semaphore, #tpu.memory_space<semaphore_mem>>)
      %dma_start3A = tpu.memref_slice %arg2[%mul3A_2] : memref<128xf32, #tpu.memory_space<hbm>> -> memref<16xf32, #tpu.memory_space<hbm>>
      %dma_start3A_3 = tpu.memref_slice %arg2[%mul3A_2] : memref<128xf32, #tpu.memory_space<hbm>> -> memref<16xf32, #tpu.memory_space<hbm>>
      tpu.enqueue_dma source(%dma_start3A_3 : memref<16xf32, #tpu.memory_space<hbm>>) target(%arg8 : memref<16xf32, #tpu.memory_space<vmem>>) target_semaphore(%arg12 : memref<!tpu.dma_semaphore, #tpu.memory_space<semaphore_mem>>)
      tpu.wait_dma2 semaphore(%arg12 : memref<!tpu.dma_semaphore, #tpu.memory_space<semaphore_mem>>) src(%arg3 : memref<1001xf32, #tpu.memory_space<hbm>>) dst(%arg7 : memref<1001xf32, #tpu.memory_space<vmem>>)
      %dma_wait3A = tpu.memref_slice %arg2[%mul3A_2] : memref<128xf32, #tpu.memory_space<hbm>> -> memref<16xf32, #tpu.memory_space<hbm>>
      %dma_wait3A_4 = tpu.memref_slice %arg2[%mul3A_2] : memref<128xf32, #tpu.memory_space<hbm>> -> memref<16xf32, #tpu.memory_space<hbm>>
      tpu.wait_dma2 semaphore(%arg12 : memref<!tpu.dma_semaphore, #tpu.memory_space<semaphore_mem>>) src(%dma_wait3A_4 : memref<16xf32, #tpu.memory_space<hbm>>) dst(%arg8 : memref<16xf32, #tpu.memory_space<vmem>>)
      %get3A = arith.constant 0 : index
      %get3A_5 = tpu.vector_load %arg8[%get3A] {strides = array<i32>} : memref<16xf32, #tpu.memory_space<vmem>>, vector<16xf32>,
      %neg3A = arith.constant 0.000000e+00 : f32
      %neg3A_6 = vector.broadcast %neg3A : f32 to vector<16xf32>
      %neg3A_7 = arith.subf %neg3A_6, %get3A_5 : vector<16xf32>
      %swap3A = arith.constant 0 : index
      %swap3A_8 = tpu.vector_load %arg9[%swap3A] {strides = array<i32>} : memref<16xf32, #tpu.memory_space<vmem>>, vector<16xf32>,
      tpu.vector_store %arg9[%swap3A], %neg3A_7 {strides = array<i32>} : memref<16xf32, #tpu.memory_space<vmem>>, vector<16xf32>,
      %dma_start3A_9 = tpu.memref_slice %arg4[%mul3A_2] : memref<128xf32, #tpu.memory_space<hbm>> -> memref<16xf32, #tpu.memory_space<hbm>>
      %dma_start3A_10 = tpu.memref_slice %arg4[%mul3A_2] : memref<128xf32, #tpu.memory_space<hbm>> -> memref<16xf32, #tpu.memory_space<hbm>>
      tpu.enqueue_dma source(%arg9 : memref<16xf32, #tpu.memory_space<vmem>>) target(%dma_start3A_10 : memref<16xf32, #tpu.memory_space<hbm>>) target_semaphore(%arg12 : memref<!tpu.dma_semaphore, #tpu.memory_space<semaphore_mem>>)
      %mul3A_11 = arith.mulf %get3A_5, %get3A_5 : vector<16xf32>
      %add3A = arith.constant 1.000000e+00 : f32
      %add3A_12 = vector.broadcast %add3A : f32 to vector<16xf32>
      %add3A_13 = arith.addf %mul3A_11, %add3A_12 : vector<16xf32>
      %bitcast3A = vector.bitcast %add3A_13 : vector<16xf32> to vector<16xi32>
      %shift_right_arithmetic3A = arith.constant 1 : i32
      %shift_right_arithmetic3A_14 = vector.broadcast %shift_right_arithmetic3A : i32 to vector<16xi32>
      %shift_right_arithmetic3A_15 = arith.shrsi %bitcast3A, %shift_right_arithmetic3A_14 : vector<16xi32>
      %sub3A = arith.constant 1597463007 : i32
      %sub3A_16 = vector.broadcast %sub3A : i32 to vector<16xi32>
      %sub3A_17 = arith.subi %sub3A_16, %shift_right_arithmetic3A_15 : vector<16xi32>
      %bitcast3A_18 = vector.bitcast %sub3A_17 : vector<16xi32> to vector<16xf32>
      %mul3A_19 = arith.constant 5.000000e-01 : f32
      %mul3A_20 = vector.broadcast %mul3A_19 : f32 to vector<16xf32>
      %mul3A_21 = arith.mulf %mul3A_20, %add3A_13 : vector<16xf32>
      %mul3A_22 = arith.mulf %mul3A_21, %bitcast3A_18 : vector<16xf32>
      %mul3A_23 = arith.mulf %mul3A_22, %bitcast3A_18 : vector<16xf32>
      %sub3A_24 = arith.constant 1.500000e+00 : f32
      %sub3A_25 = vector.broadcast %sub3A_24 : f32 to vector<16xf32>
      %sub3A_26 = arith.subf %sub3A_25, %mul3A_23 : vector<16xf32>
      %mul3A_27 = arith.mulf %bitcast3A_18, %sub3A_26 : vector<16xf32>
      %mul3A_28 = arith.constant 5.000000e-01 : f32
      %mul3A_29 = vector.broadcast %mul3A_28 : f32 to vector<16xf32>
      %mul3A_30 = arith.mulf %mul3A_29, %add3A_13 : vector<16xf32>
      %mul3A_31 = arith.mulf %mul3A_30, %mul3A_27 : vector<16xf32>
      %mul3A_32 = arith.mulf %mul3A_31, %mul3A_27 : vector<16xf32>
      %sub3A_33 = arith.constant 1.500000e+00 : f32
      %sub3A_34 = vector.broadcast %sub3A_33 : f32 to vector<16xf32>
      %sub3A_35 = arith.subf %sub3A_34, %mul3A_32 : vector<16xf32>
      %mul3A_36 = arith.mulf %mul3A_27, %sub3A_35 : vector<16xf32>
      %mul3A_37 = arith.constant 5.000000e-01 : f32
      %mul3A_38 = vector.broadcast %mul3A_37 : f32 to vector<16xf32>
      %mul3A_39 = arith.mulf %mul3A_38, %add3A_13 : vector<16xf32>
      %mul3A_40 = arith.mulf %mul3A_39, %mul3A_36 : vector<16xf32>
      %mul3A_41 = arith.mulf %mul3A_40, %mul3A_36 : vector<16xf32>
      %sub3A_42 = arith.constant 1.500000e+00 : f32
      %sub3A_43 = vector.broadcast %sub3A_42 : f32 to vector<16xf32>
      %sub3A_44 = arith.subf %sub3A_43, %mul3A_41 : vector<16xf32>
      %mul3A_45 = arith.mulf %mul3A_36, %sub3A_44 : vector<16xf32>
      %mul3A_46 = arith.constant 5.000000e-01 : f32
      %mul3A_47 = vector.broadcast %mul3A_46 : f32 to vector<16xf32>
      %mul3A_48 = arith.mulf %mul3A_47, %add3A_13 : vector<16xf32>
      %mul3A_49 = arith.mulf %mul3A_48, %mul3A_45 : vector<16xf32>
      %mul3A_50 = arith.mulf %mul3A_49, %mul3A_45 : vector<16xf32>
      %sub3A_51 = arith.constant 1.500000e+00 : f32
      %sub3A_52 = vector.broadcast %sub3A_51 : f32 to vector<16xf32>
      %sub3A_53 = arith.subf %sub3A_52, %mul3A_50 : vector<16xf32>
      %mul3A_54 = arith.mulf %mul3A_45, %sub3A_53 : vector<16xf32>
      %swap3A_55 = arith.constant 0 : index
      %swap3A_56 = tpu.vector_load %arg10[%swap3A_55] {strides = array<i32>} : memref<16xf32, #tpu.memory_space<vmem>>, vector<16xf32>,
      tpu.vector_store %arg10[%swap3A_55], %mul3A_54 {strides = array<i32>} : memref<16xf32, #tpu.memory_space<vmem>>, vector<16xf32>,
      %dma_start3A_57 = tpu.memref_slice %arg5[%mul3A_2] : memref<128xf32, #tpu.memory_space<hbm>> -> memref<16xf32, #tpu.memory_space<hbm>>
      %dma_start3A_58 = tpu.memref_slice %arg5[%mul3A_2] : memref<128xf32, #tpu.memory_space<hbm>> -> memref<16xf32, #tpu.memory_space<hbm>>
      tpu.enqueue_dma source(%arg10 : memref<16xf32, #tpu.memory_space<vmem>>) target(%dma_start3A_58 : memref<16xf32, #tpu.memory_space<hbm>>) target_semaphore(%arg12 : memref<!tpu.dma_semaphore, #tpu.memory_space<semaphore_mem>>)
      %broadcast_in_dim3A = arith.constant 0 : i32
      %broadcast_in_dim3A_59 = vector.broadcast %broadcast_in_dim3A : i32 to vector<16xi32>
      %broadcast_in_dim3A_60 = arith.constant 1001 : i32
      %broadcast_in_dim3A_61 = vector.broadcast %broadcast_in_dim3A_60 : i32 to vector<16xi32>
      %add3A_62 = arith.addi %broadcast_in_dim3A_59, %broadcast_in_dim3A_61 : vector<16xi32>
      %shift_right_arithmetic3A_63 = arith.constant 1 : i32
      %shift_right_arithmetic3A_64 = vector.broadcast %shift_right_arithmetic3A_63 : i32 to vector<16xi32>
      %shift_right_arithmetic3A_65 = arith.shrsi %add3A_62, %shift_right_arithmetic3A_64 : vector<16xi32>
      %gather3A = tpu.vector_load_idx %arg7[%shift_right_arithmetic3A_65] : memref<1001xf32, #tpu.memory_space<vmem>>[vector<16xi32>], vector<16xf32>,
      %gt3A = arith.cmpf ogt, %gather3A, %get3A_5 : vector<16xf32>
      %add3A_66 = arith.constant 1 : i32
      %add3A_67 = vector.broadcast %add3A_66 : i32 to vector<16xi32>
      %add3A_68 = arith.addi %shift_right_arithmetic3A_65, %add3A_67 : vector<16xi32>
      %select_n3A = arith.select %gt3A, %add3A_68, %broadcast_in_dim3A_59 : vector<16xi1>, vector<16xi32>
      %select_n3A_69 = arith.select %gt3A, %broadcast_in_dim3A_61, %shift_right_arithmetic3A_65 : vector<16xi1>, vector<16xi32>
      %add3A_70 = arith.addi %select_n3A, %select_n3A_69 : vector<16xi32>
      %shift_right_arithmetic3A_71 = arith.constant 1 : i32
      %shift_right_arithmetic3A_72 = vector.broadcast %shift_right_arithmetic3A_71 : i32 to vector<16xi32>
      %shift_right_arithmetic3A_73 = arith.shrsi %add3A_70, %shift_right_arithmetic3A_72 : vector<16xi32>
      %gather3A_74 = tpu.vector_load_idx %arg7[%shift_right_arithmetic3A_73] : memref<1001xf32, #tpu.memory_space<vmem>>[vector<16xi32>], vector<16xf32>,
      %gt3A_75 = arith.cmpf ogt, %gather3A_74, %get3A_5 : vector<16xf32>
      %add3A_76 = arith.constant 1 : i32
      %add3A_77 = vector.broadcast %add3A_76 : i32 to vector<16xi32>
      %add3A_78 = arith.addi %shift_right_arithmetic3A_73, %add3A_77 : vector<16xi32>
      %select_n3A_79 = arith.select %gt3A_75, %add3A_78, %select_n3A : vector<16xi1>, vector<16xi32>
      %select_n3A_80 = arith.select %gt3A_75, %select_n3A_69, %shift_right_arithmetic3A_73 : vector<16xi1>, vector<16xi32>
      %add3A_81 = arith.addi %select_n3A_79, %select_n3A_80 : vector<16xi32>
      %shift_right_arithmetic3A_82 = arith.constant 1 : i32
      %shift_right_arithmetic3A_83 = vector.broadcast %shift_right_arithmetic3A_82 : i32 to vector<16xi32>
      %shift_right_arithmetic3A_84 = arith.shrsi %add3A_81, %shift_right_arithmetic3A_83 : vector<16xi32>
      %gather3A_85 = tpu.vector_load_idx %arg7[%shift_right_arithmetic3A_84] : memref<1001xf32, #tpu.memory_space<vmem>>[vector<16xi32>], vector<16xf32>,
      %gt3A_86 = arith.cmpf ogt, %gather3A_85, %get3A_5 : vector<16xf32>
      %add3A_87 = arith.constant 1 : i32
      %add3A_88 = vector.broadcast %add3A_87 : i32 to vector<16xi32>
      %add3A_89 = arith.addi %shift_right_arithmetic3A_84, %add3A_88 : vector<16xi32>
      %select_n3A_90 = arith.select %gt3A_86, %add3A_89, %select_n3A_79 : vector<16xi1>, vector<16xi32>
      %select_n3A_91 = arith.select %gt3A_86, %select_n3A_80, %shift_right_arithmetic3A_84 : vector<16xi1>, vector<16xi32>
      %add3A_92 = arith.addi %select_n3A_90, %select_n3A_91 : vector<16xi32>
      %shift_right_arithmetic3A_93 = arith.constant 1 : i32
      %shift_right_arithmetic3A_94 = vector.broadcast %shift_right_arithmetic3A_93 : i32 to vector<16xi32>
      %shift_right_arithmetic3A_95 = arith.shrsi %add3A_92, %shift_right_arithmetic3A_94 : vector<16xi32>
      %gather3A_96 = tpu.vector_load_idx %arg7[%shift_right_arithmetic3A_95] : memref<1001xf32, #tpu.memory_space<vmem>>[vector<16xi32>], vector<16xf32>,
      %gt3A_97 = arith.cmpf ogt, %gather3A_96, %get3A_5 : vector<16xf32>
      %add3A_98 = arith.constant 1 : i32
      %add3A_99 = vector.broadcast %add3A_98 : i32 to vector<16xi32>
      %add3A_100 = arith.addi %shift_right_arithmetic3A_95, %add3A_99 : vector<16xi32>
      %select_n3A_101 = arith.select %gt3A_97, %add3A_100, %select_n3A_90 : vector<16xi1>, vector<16xi32>
      %select_n3A_102 = arith.select %gt3A_97, %select_n3A_91, %shift_right_arithmetic3A_95 : vector<16xi1>, vector<16xi32>
      %add3A_103 = arith.addi %select_n3A_101, %select_n3A_102 : vector<16xi32>
      %shift_right_arithmetic3A_104 = arith.constant 1 : i32
      %shift_right_arithmetic3A_105 = vector.broadcast %shift_right_arithmetic3A_104 : i32 to vector<16xi32>
      %shift_right_arithmetic3A_106 = arith.shrsi %add3A_103, %shift_right_arithmetic3A_105 : vector<16xi32>
      %gather3A_107 = tpu.vector_load_idx %arg7[%shift_right_arithmetic3A_106] : memref<1001xf32, #tpu.memory_space<vmem>>[vector<16xi32>], vector<16xf32>,
      %gt3A_108 = arith.cmpf ogt, %gather3A_107, %get3A_5 : vector<16xf32>
      %add3A_109 = arith.constant 1 : i32
      %add3A_110 = vector.broadcast %add3A_109 : i32 to vector<16xi32>
      %add3A_111 = arith.addi %shift_right_arithmetic3A_106, %add3A_110 : vector<16xi32>
      %select_n3A_112 = arith.select %gt3A_108, %add3A_111, %select_n3A_101 : vector<16xi1>, vector<16xi32>
      %select_n3A_113 = arith.select %gt3A_108, %select_n3A_102, %shift_right_arithmetic3A_106 : vector<16xi1>, vector<16xi32>
      %add3A_114 = arith.addi %select_n3A_112, %select_n3A_113 : vector<16xi32>
      %shift_right_arithmetic3A_115 = arith.constant 1 : i32
      %shift_right_arithmetic3A_116 = vector.broadcast %shift_right_arithmetic3A_115 : i32 to vector<16xi32>
      %shift_right_arithmetic3A_117 = arith.shrsi %add3A_114, %shift_right_arithmetic3A_116 : vector<16xi32>
      %gather3A_118 = tpu.vector_load_idx %arg7[%shift_right_arithmetic3A_117] : memref<1001xf32, #tpu.memory_space<vmem>>[vector<16xi32>], vector<16xf32>,
      %gt3A_119 = arith.cmpf ogt, %gather3A_118, %get3A_5 : vector<16xf32>
      %add3A_120 = arith.constant 1 : i32
      %add3A_121 = vector.broadcast %add3A_120 : i32 to vector<16xi32>
      %add3A_122 = arith.addi %shift_right_arithmetic3A_117, %add3A_121 : vector<16xi32>
      %select_n3A_123 = arith.select %gt3A_119, %add3A_122, %select_n3A_112 : vector<16xi1>, vector<16xi32>
      %select_n3A_124 = arith.select %gt3A_119, %select_n3A_113, %shift_right_arithmetic3A_117 : vector<16xi1>, vector<16xi32>
      %add3A_125 = arith.addi %select_n3A_123, %select_n3A_124 : vector<16xi32>
      %shift_right_arithmetic3A_126 = arith.constant 1 : i32
      %shift_right_arithmetic3A_127 = vector.broadcast %shift_right_arithmetic3A_126 : i32 to vector<16xi32>
      %shift_right_arithmetic3A_128 = arith.shrsi %add3A_125, %shift_right_arithmetic3A_127 : vector<16xi32>
      %gather3A_129 = tpu.vector_load_idx %arg7[%shift_right_arithmetic3A_128] : memref<1001xf32, #tpu.memory_space<vmem>>[vector<16xi32>], vector<16xf32>,
      %gt3A_130 = arith.cmpf ogt, %gather3A_129, %get3A_5 : vector<16xf32>
      %add3A_131 = arith.constant 1 : i32
      %add3A_132 = vector.broadcast %add3A_131 : i32 to vector<16xi32>
      %add3A_133 = arith.addi %shift_right_arithmetic3A_128, %add3A_132 : vector<16xi32>
      %select_n3A_134 = arith.select %gt3A_130, %add3A_133, %select_n3A_123 : vector<16xi1>, vector<16xi32>
      %select_n3A_135 = arith.select %gt3A_130, %select_n3A_124, %shift_right_arithmetic3A_128 : vector<16xi1>, vector<16xi32>
      %add3A_136 = arith.addi %select_n3A_134, %select_n3A_135 : vector<16xi32>
      %shift_right_arithmetic3A_137 = arith.constant 1 : i32
      %shift_right_arithmetic3A_138 = vector.broadcast %shift_right_arithmetic3A_137 : i32 to vector<16xi32>
      %shift_right_arithmetic3A_139 = arith.shrsi %add3A_136, %shift_right_arithmetic3A_138 : vector<16xi32>
      %gather3A_140 = tpu.vector_load_idx %arg7[%shift_right_arithmetic3A_139] : memref<1001xf32, #tpu.memory_space<vmem>>[vector<16xi32>], vector<16xf32>,
      %gt3A_141 = arith.cmpf ogt, %gather3A_140, %get3A_5 : vector<16xf32>
      %add3A_142 = arith.constant 1 : i32
      %add3A_143 = vector.broadcast %add3A_142 : i32 to vector<16xi32>
      %add3A_144 = arith.addi %shift_right_arithmetic3A_139, %add3A_143 : vector<16xi32>
      %select_n3A_145 = arith.select %gt3A_141, %add3A_144, %select_n3A_134 : vector<16xi1>, vector<16xi32>
      %select_n3A_146 = arith.select %gt3A_141, %select_n3A_135, %shift_right_arithmetic3A_139 : vector<16xi1>, vector<16xi32>
      %add3A_147 = arith.addi %select_n3A_145, %select_n3A_146 : vector<16xi32>
      %shift_right_arithmetic3A_148 = arith.constant 1 : i32
      %shift_right_arithmetic3A_149 = vector.broadcast %shift_right_arithmetic3A_148 : i32 to vector<16xi32>
      %shift_right_arithmetic3A_150 = arith.shrsi %add3A_147, %shift_right_arithmetic3A_149 : vector<16xi32>
      %gather3A_151 = tpu.vector_load_idx %arg7[%shift_right_arithmetic3A_150] : memref<1001xf32, #tpu.memory_space<vmem>>[vector<16xi32>], vector<16xf32>,
      %gt3A_152 = arith.cmpf ogt, %gather3A_151, %get3A_5 : vector<16xf32>
      %add3A_153 = arith.constant 1 : i32
      %add3A_154 = vector.broadcast %add3A_153 : i32 to vector<16xi32>
      %add3A_155 = arith.addi %shift_right_arithmetic3A_150, %add3A_154 : vector<16xi32>
      %select_n3A_156 = arith.select %gt3A_152, %add3A_155, %select_n3A_145 : vector<16xi1>, vector<16xi32>
      %select_n3A_157 = arith.select %gt3A_152, %select_n3A_146, %shift_right_arithmetic3A_150 : vector<16xi1>, vector<16xi32>
      %add3A_158 = arith.addi %select_n3A_156, %select_n3A_157 : vector<16xi32>
      %shift_right_arithmetic3A_159 = arith.constant 1 : i32
      %shift_right_arithmetic3A_160 = vector.broadcast %shift_right_arithmetic3A_159 : i32 to vector<16xi32>
      %shift_right_arithmetic3A_161 = arith.shrsi %add3A_158, %shift_right_arithmetic3A_160 : vector<16xi32>
      %gather3A_162 = tpu.vector_load_idx %arg7[%shift_right_arithmetic3A_161] : memref<1001xf32, #tpu.memory_space<vmem>>[vector<16xi32>], vector<16xf32>,
      %gt3A_163 = arith.cmpf ogt, %gather3A_162, %get3A_5 : vector<16xf32>
      %add3A_164 = arith.constant 1 : i32
      %add3A_165 = vector.broadcast %add3A_164 : i32 to vector<16xi32>
      %add3A_166 = arith.addi %shift_right_arithmetic3A_161, %add3A_165 : vector<16xi32>
      %select_n3A_167 = arith.select %gt3A_163, %add3A_166, %select_n3A_156 : vector<16xi1>, vector<16xi32>
      %select_n3A_168 = arith.select %gt3A_163, %select_n3A_157, %shift_right_arithmetic3A_161 : vector<16xi1>, vector<16xi32>
      %sub3A_169 = arith.constant 1 : i32
      %sub3A_170 = vector.broadcast %sub3A_169 : i32 to vector<16xi32>
      %sub3A_171 = arith.subi %select_n3A_167, %sub3A_170 : vector<16xi32>
      %max3A = arith.constant 0 : i32
      %max3A_172 = vector.broadcast %max3A : i32 to vector<16xi32>
      %max3A_173 = arith.maxsi %sub3A_171, %max3A_172 : vector<16xi32>
      %min3A = arith.constant 1000 : i32
      %min3A_174 = vector.broadcast %min3A : i32 to vector<16xi32>
      %min3A_175 = arith.minsi %select_n3A_167, %min3A_174 : vector<16xi32>
      %gather3A_176 = tpu.vector_load_idx %arg7[%max3A_173] : memref<1001xf32, #tpu.memory_space<vmem>>[vector<16xi32>], vector<16xf32>,
      %sub3A_177 = arith.subf %gather3A_176, %get3A_5 : vector<16xf32>
      %gather3A_178 = tpu.vector_load_idx %arg7[%min3A_175] : memref<1001xf32, #tpu.memory_space<vmem>>[vector<16xi32>], vector<16xf32>,
      %sub3A_179 = arith.subf %get3A_5, %gather3A_178 : vector<16xf32>
      %le3A = arith.cmpf ole, %sub3A_177, %sub3A_179 : vector<16xf32>
      %select_n3A_180 = arith.select %le3A, %max3A_173, %min3A_175 : vector<16xi1>, vector<16xi32>
      %convert_element_type3A_181 = arith.sitofp %select_n3A_180 : vector<16xi32> to vector<16xf32>
      %sub3A_182 = arith.constant 9.990000e+02 : f32
      %sub3A_183 = vector.broadcast %sub3A_182 : f32 to vector<16xf32>
      %sub3A_184 = arith.subf %sub3A_183, %convert_element_type3A_181 : vector<16xf32>
      %swap3A_185 = arith.constant 0 : index
      %swap3A_186 = tpu.vector_load %arg11[%swap3A_185] {strides = array<i32>} : memref<16xf32, #tpu.memory_space<vmem>>, vector<16xf32>,
      tpu.vector_store %arg11[%swap3A_185], %sub3A_184 {strides = array<i32>} : memref<16xf32, #tpu.memory_space<vmem>>, vector<16xf32>,
      %dma_start3A_187 = tpu.memref_slice %arg6[%mul3A_2] : memref<128xf32, #tpu.memory_space<hbm>> -> memref<16xf32, #tpu.memory_space<hbm>>
      %dma_start3A_188 = tpu.memref_slice %arg6[%mul3A_2] : memref<128xf32, #tpu.memory_space<hbm>> -> memref<16xf32, #tpu.memory_space<hbm>>
      tpu.enqueue_dma source(%arg11 : memref<16xf32, #tpu.memory_space<vmem>>) target(%dma_start3A_188 : memref<16xf32, #tpu.memory_space<hbm>>) target_semaphore(%arg12 : memref<!tpu.dma_semaphore, #tpu.memory_space<semaphore_mem>>)
      %dma_wait3A_189 = tpu.memref_slice %arg4[%mul3A_2] : memref<128xf32, #tpu.memory_space<hbm>> -> memref<16xf32, #tpu.memory_space<hbm>>
      %dma_wait3A_190 = tpu.memref_slice %arg4[%mul3A_2] : memref<128xf32, #tpu.memory_space<hbm>> -> memref<16xf32, #tpu.memory_space<hbm>>
      tpu.wait_dma2 semaphore(%arg12 : memref<!tpu.dma_semaphore, #tpu.memory_space<semaphore_mem>>) src(%arg9 : memref<16xf32, #tpu.memory_space<vmem>>) dst(%dma_wait3A_190 : memref<16xf32, #tpu.memory_space<hbm>>)
      %dma_wait3A_191 = tpu.memref_slice %arg5[%mul3A_2] : memref<128xf32, #tpu.memory_space<hbm>> -> memref<16xf32, #tpu.memory_space<hbm>>
      %dma_wait3A_192 = tpu.memref_slice %arg5[%mul3A_2] : memref<128xf32, #tpu.memory_space<hbm>> -> memref<16xf32, #tpu.memory_space<hbm>>
      tpu.wait_dma2 semaphore(%arg12 : memref<!tpu.dma_semaphore, #tpu.memory_space<semaphore_mem>>) src(%arg10 : memref<16xf32, #tpu.memory_space<vmem>>) dst(%dma_wait3A_192 : memref<16xf32, #tpu.memory_space<hbm>>)
      %dma_wait3A_193 = tpu.memref_slice %arg6[%mul3A_2] : memref<128xf32, #tpu.memory_space<hbm>> -> memref<16xf32, #tpu.memory_space<hbm>>
      %dma_wait3A_194 = tpu.memref_slice %arg6[%mul3A_2] : memref<128xf32, #tpu.memory_space<hbm>> -> memref<16xf32, #tpu.memory_space<hbm>>
      tpu.wait_dma2 semaphore(%arg12 : memref<!tpu.dma_semaphore, #tpu.memory_space<semaphore_mem>>) src(%arg11 : memref<16xf32, #tpu.memory_space<vmem>>) dst(%dma_wait3A_194 : memref<16xf32, #tpu.memory_space<hbm>>)
    } else {
    }
    return
  }
}

</mosaic_0001>

<sc_bundles>
// kernel: kernel.3.cloned.1.call-start
scs
__scs_entry_jumppad:
0x0: {  	(pc) =	sbr.rel $0x88, $3  }
0x1: {  	(tag) =	ssettag $0x0;
	lr =	simm.s32 $0x1  }
0x2: {  	[smem:$0x3F9F] =	sst lr;
	_ =	strace $0xD0000000  }
0x3: {  	_ = 	snop  }
0x4: {  	_ = 	snop  }
0x5: {  	_ = 	snop  }
0x6: {  	_ = 	snop  }
0x7: {  	_ = 	snop  }
__scs_overlays_trampoline_lowered:
0x8: {  	[smem:$0x3FAE] =	sst s0  }
0x9: {  	[smem:$0x3FAF] =	sst s1  }
0xa: {  	[smem:$0x3FB0] =	sst s2  }
0xb: {  	[smem:$0x3FB1] =	sst s3  }
0xc: {  	[smem:$0x3FB2] =	sst s4  }
0xd: {  	[smem:$0x3FB3] =	sst s5  }
0xe: {  	[smem:$0x3FB4] =	sst s6  }
0xf: {  	[smem:$0x3FB5] =	sst s7  }
0x10: {  	[smem:$0x3FB6] =	sst s8  }
0x11: {  	[smem:$0x3FB7] =	sst s9;
	s0 =	simm.s32 @!p0 $0x0  }
0x12: {  	s1 =	sld [smem:$0x3F9D];
	s0 =	simm.s32 @p0 $0x1  }
0x13: {  	[smem:$0x3FB8] =	sst s0;
	s0 =	simm.s32 @!p1 $0x0  }
0x14: {  	s2 =	sld [smem:$0x3F9C];
	s0 =	simm.s32 @p1 $0x1  }
0x15: {  	[smem:$0x3FB9] =	sst s0;
	s0 =	simm.s32 @!p2 $0x0  }
0x16: {  	s3 =	sld [smem:$0x3FDB];
	s0 =	simm.s32 @p2 $0x1  }
0x17: {  	s4 =	simm.s32 $0x1BF5;
	[smem:$0x3FBB] =	sst s0  }
0x18: {  	s0 =	sld [smem:$0x3F9E];
	_ =	swait.ge [sflag:s4], $0x0  }
0x19: {  	s7 =	sld [smem:$0x3F9F]  }
0x1a: {  	s8 =	sadd.s32 $0xFFFFE003, lr  }
0x1b: {  	s9 =	sadd.s32 $0xFFFFFEF7, lr;
	s5 =	simm.s32 $0xFFFFFFFF;
	p2 =	slt.u32 s8, $0xFFFFF086  }
0x1c: {  	p1 =	slt.u32 s9, $0xF7A;
	s5 =	simm.s32 @!p2 $0x0  }
0x1d: {  	s5 =	simm.s32 @p1 $0x1;
	p0 =	seq.s32 s7, s2  }
0x1e: {  	s7 =	smul.u32 @!p0 $0xF7A, s2;
	p2 =	seq.s32 @!p0 s5, $0x0  }
0x1f: {  	s9 =	smul.u32 $0xF7A, s1;
	s8 =	simm.s32 @!p0 $0x1BF5;
	p2 =	por !p2, p0  }
0x20: {  	[sflag:s8] =	ssyncset.s32 @!p0 $0xFFFFF086;
	s6 =	sadd.s32 @!p0 s3, s7;
	s7 =	simm.s32 @!p0 $0x108  }
0x21: {  	s3 =	sadd.s32 s3, s9;
	s6 =	sadd.s32 @!p0 $0x88, s6;
	s7 =	simm.s32 @p2 $0x1082  }
0x22: {  	[simem:s7], [sflag:s8] =	dma.local @!p0 [hbm:s6], $0xF7A  }
0x23: {  	s9 =	sor.u32 $0xD0000000, s2;
	s6 =	simm.s32 $0x108;
	_ =	swait.ge @!p0 [sflag:s8], $0x0  }
0x24: {  	s3 =	sadd.s32 $0x88, s3;
	s6 =	simm.s32 @!p1 $0x1082;
	[sflag:s4] =	ssyncset.s32 $0xFFFFF086  }
0x25: {  	[simem:s6], [sflag:s4] =	dma.local [hbm:s3], $0xF7A  }
0x26: {  	[smem:$0x3F9F] =	sst s1;
	(tag) =	ssettag s2;
	_ =	strace s9  }
0x27: {  	s1 =	sld [smem:$0x3FAF]  }
0x28: {  	s2 =	sld [smem:$0x3FB0]  }
0x29: {  	s4 =	sld [smem:$0x3FB2]  }
0x2a: {  	p0 =	seq.s32 s5, $0x0;
	s5 =	sld [smem:$0x3FB3]  }
0x2b: {  	s6 =	sld [smem:$0x3FB4]  }
0x2c: {  	s7 =	sld [smem:$0x3FB5]  }
0x2d: {  	s3 =	simm.s32 $0x108;
	s8 =	sld [smem:$0x3FB6]  }
0x2e: {  	s3 =	simm.s32 @!p0 $0x1082;
	s9 =	sld [smem:$0x3FB7]  }
0x2f: {  	lr =	sadd.s32 s0, s3;
	s0 =	sld [smem:$0x3FAE]  }
0x30: {  	s3 =	sld [smem:$0x3FB1]  }
0x31: {  	[smem:$0x3FBA] =	sst s10  }
0x32: {  	s10 =	sld [smem:$0x3FB8];
	_ =	sdelay $0x3  }
0x33: {  	p0 =	seq.s32 s10, $0x1;
	s10 =	sld [smem:$0x3FBA];
	_ =	sdelay $0x3  }
0x34: {  	[smem:$0x3FBA] =	sst s10  }
0x35: {  	s10 =	sld [smem:$0x3FB9];
	_ =	sdelay $0x3  }
0x36: {  	p1 =	seq.s32 s10, $0x1;
	s10 =	sld [smem:$0x3FBA];
	_ =	sdelay $0x3  }
0x37: {  	[smem:$0x3FBA] =	sst s10  }
0x38: {  	s10 =	sld [smem:$0x3FBB]  }
0x39: {  	_ = 	snop;
	(pc) =	sbr.ind lr, $3  }
0x3a: {  	_ = 	snop  }
0x3b: {  	_ = 	snop  }
0x3c: {  	p2 =	seq.s32 s10, $0x1;
	s10 =	sld [smem:$0x3FBA]  }
0x3d: {  	_ =	shalt  }
0x3e: {  	_ =	shalt  }
0x3f: {  	_ =	shalt  }
0x40: {  	_ =	shalt  }
0x41: {  	_ =	shalt  }
0x42: {  	_ =	shalt  }
0x43: {  	_ =	shalt  }
0x44: {  	_ =	shalt  }
0x45: {  	_ =	shalt  }
0x46: {  	_ =	shalt  }
0x47: {  	_ =	shalt  }
0x48: {  	_ =	shalt  }
0x49: {  	_ =	shalt  }
0x4a: {  	_ =	shalt  }
0x4b: {  	_ =	shalt  }
0x4c: {  	_ =	shalt  }
0x4d: {  	_ =	shalt  }
0x4e: {  	_ =	shalt  }
0x4f: {  	_ =	shalt  }
0x50: {  	_ =	shalt  }
0x51: {  	_ =	shalt  }
0x52: {  	_ =	shalt  }
0x53: {  	_ =	shalt  }
0x54: {  	_ =	shalt  }
0x55: {  	_ =	shalt  }
0x56: {  	_ =	shalt  }
0x57: {  	_ =	shalt  }
0x58: {  	_ =	shalt  }
0x59: {  	_ =	shalt  }
0x5a: {  	_ =	shalt  }
0x5b: {  	_ =	shalt  }
0x5c: {  	_ =	shalt  }
0x5d: {  	_ =	shalt  }
0x5e: {  	_ =	shalt  }
0x5f: {  	_ =	shalt  }
0x60: {  	_ =	shalt  }
0x61: {  	_ =	shalt  }
0x62: {  	_ =	shalt  }
0x63: {  	_ =	shalt  }
0x64: {  	_ =	shalt  }
0x65: {  	_ =	shalt  }
0x66: {  	_ =	shalt  }
0x67: {  	_ =	shalt  }
0x68: {  	_ =	shalt  }
0x69: {  	_ =	shalt  }
0x6a: {  	_ =	shalt  }
0x6b: {  	_ =	shalt  }
0x6c: {  	_ =	shalt  }
0x6d: {  	_ =	shalt  }
0x6e: {  	_ =	shalt  }
0x6f: {  	_ =	shalt  }
0x70: {  	_ =	shalt  }
0x71: {  	_ =	shalt  }
0x72: {  	_ =	shalt  }
0x73: {  	_ =	shalt  }
0x74: {  	_ =	shalt  }
0x75: {  	_ =	shalt  }
0x76: {  	_ =	shalt  }
0x77: {  	_ =	shalt  }
0x78: {  	_ =	shalt  }
0x79: {  	_ =	shalt  }
0x7a: {  	_ =	shalt  }
0x7b: {  	_ =	shalt  }
0x7c: {  	_ =	shalt  }
0x7d: {  	_ =	shalt  }
0x7e: {  	_ =	shalt  }
0x7f: {  	_ =	shalt  }
0x80: {  	_ =	shalt  }
0x81: {  	_ =	shalt  }
0x82: {  	_ =	shalt  }
0x83: {  	_ =	shalt  }
0x84: {  	_ =	shalt  }
0x85: {  	_ =	shalt  }
0x86: {  	_ =	shalt  }
0x87: {  	_ =	shalt  }
.Lfunc_end0:
.L_simem_size_0:
called_computation_lowered:
.L_overlay_start_0:
0x88: {  	s0 =	sld [smem:$0x3FD9]  }
0x89: {  	s1 =	sld [smem:$0x3FFE];
	_ =	sdelay $0x3  }
0x8a: {  	s0 =	sadd.s32 s1, s0  }
0x8b: {  	[smem:$0x3FC6] =	sst s0  }
0x8c: {  	_ = 	snop  }
0x8d: {  	s0 =	sld [smem:$0x3FD0];
	_ =	sdelay $0x1  }
0x8e: {  	s14 =	sld [smem:$0x3FC9]  }
0x8f: {  	s3 =	simm.s32 $0xA;
	s4 =	simm.s32 $0x10;
	s2 =	sld [smem:$0x3FC8]  }
0x90: {  	[smem:s4], [sflag:s3] =	dma.local [hbm:s0], $0x1  }
0x91: {  	_ =	swait.eq [sflag:s3], $0x1  }
0x92: {  	s15 =	sld [smem:$0x11];
	[sflag:s3] =	ssyncset.done $0x0  }
0x93: {  	s16 =	sld [smem:$0x12];
	[sflag:s3] =	ssyncadd.s32 $0xFFFFFFFF  }
0x94: {  	s17 =	sld [smem:$0x13];
	(tm) =	ssettm $0x1  }
0x95: {  	s5 =	sld [smem:$0x3FFB];
	_ =	sdelay $0x3  }
0x96: {  	_ =	strace s5  }
0x97: {  	s5 =	sld [smem:$0x3FFC];
	_ =	sdelay $0x3  }
0x98: {  	_ =	strace s5  }
0x99: {  	s5 =	sld [smem:$0x3FFD];
	_ =	sdelay $0x3  }
0x9a: {  	_ =	strace s5  }
0x9b: {  	_ =	strace $0x8FFFFFFF  }
0x9c: {  	s18 =	sld [smem:$0x3FDB];
	_ =	sdelay $0x1  }
0x9d: {  	s6 =	simm.s32 $_scs_section_size  }
0x9e: {  	s7 =	simm.s32 $_size__tile_overlayer_lowered;
	s8 =	simm.s32 $_tile_overlayer_lowered  }
0x9f: {  	s21 =	simm.s32 $0x1BFF;
	s20 =	sshll.u32 s8, $0x1;
	s5 =	sadd.s32 s6, s18  }
0xa0: {  	s9 =	simm.s32 $0x0;
	s19 =	sshll.u32 s7, $0x1;
	s7 =	sadd.s32 s20, s5  }
0xa1: {  	[timem:s9], [sflag:s21] =	dma.local [hbm:s7], s19  }
0xa2: {  	_ =	swait.ge [sflag:s21], s19  }
0xa3: {  	s6 =	ssub.s32 $0x0, s19;
	[sflag:s21] =	ssyncset.done $0x0  }
0xa4: {  	[sflag:s21] =	ssyncadd.s32 s6;
	_ =	sdelay $0x1  }
0xa5: {  	s22 =	simm.s32 $0x1B8B  }
0xa6: {  	_ =	swait.ge [sflag:s22], $0x1  }
0xa7: {  	[sflag:s22] =	ssyncset.done $0x0  }
0xa8: {  	s23 =	simm.s32 $0x1B8E;
	[sflag:s22] =	ssyncadd.s32 $0xFFFFFFFF  }
0xa9: {  	s24 =	simm.s32 $execute0_lowered;
	[smem:$0x3FD2] =	sst s23  }
0xaa: {  	s6 =	sshll.u32 s24, $0x1;
	_ =	strace $0x80000046;
	[dreg:$0x1] =	wrdreg $0xFFFFFFFF  }
0xab: {  	s25 =	simm.s32 $_size_execute0_lowered;
	s5 =	sadd.s32 s5, s6;
	[dreg:$0x0] =	wrdreg $0x0  }
0xac: {  	s6 =	sshll.u32 s25, $0x1;
	[dreg:$0x2] =	wrdreg s5  }
0xad: {  	[dreg:$0x3] =	wrdreg s6  }
0xae: {  	[dreg:$0x4] =	wrdreg $0xC0  }
0xaf: {  	_ =	task [dreg:s9], $0x5FFFF  }
0xb0: {  	[dreg:$0x1] =	wrdreg $0xFFFFFFFF  }
0xb1: {  	[dreg:$0x0] =	wrdreg $0x60  }
0xb2: {  	[dreg:$0x2] =	wrdreg s14  }
0xb3: {  	[dreg:$0x3] =	wrdreg s2  }
0xb4: {  	[dreg:$0x4] =	wrdreg s15  }
0xb5: {  	[dreg:$0x5] =	wrdreg s16  }
0xb6: {  	[dreg:$0x6] =	wrdreg s17  }
0xb7: {  	[dreg:$0x7] =	wrdreg $0x9  }
0xb8: {  	_ =	task.clear_ibuf [dreg:s9], $0x8FFFF;
	_ =	strace $0x90000046  }
0xb9: {  	s26 =	simm.s32 $0x9;
	_ =	strace $0x80000048  }
0xba: {  	_ =	swait.ge [sflag:s26], $0x1  }
0xbb: {  	[sflag:s26] =	ssyncadd.s32 $0xFFFFFFFF  }
0xbc: {  	_ =	strace $0x90000048  }
0xbd: {  	_ =	sfence  }
0xbe: {  	s28 =	sld [smem:$0x0];
	_ =	sdelay $0x1  }
0xbf: {  	s29 =	srdreg.scid  }
0xc0: {  	s30 =	sshll.u32 s29, $0xD;
	s31 =	sshrl.u32 s29, $0x2  }
0xc1: {  	s1 =	sand.u32 $0x1, s29;
	s2 =	sand.u32 $0x4000, s30;
	s0 =	sadd.s32 s31, s28  }
0xc2: {  	s1 =	sor.u32 s2, s1;
	s0 =	sshll.u32 s0, $0x11  }
0xc3: {  	s0 =	sor.u32 s0, s1  }
0xc4: {  	s0 =	sadd.s32 $0x8F2B, s0  }
0xc5: {  	[sflag:s0] =	ssyncadd.remote.s32 $0x1  }
0xc6: {  	_ =	sfence.sel $0xFFFF  }
0xc7: {  	[dreg:$0x0] =	wrdreg $0xFFFFFFFF;
	(pc) =	sbr.abs _section_cstart, $3  }
0xc8: {  	[dreg:$0x1] =	wrdreg $0xFFFFFFFF  }
0xc9: {  	_ =	task.clear_ibuf [dreg:s9], $0x2FFFF;
	_ =	strace $0x9FFFFFFF  }
0xca: {  	(tm) =	ssettm $0x7FFFFFFF  }
0xcb: {  	_ =	shalt  }
tec
execute0_lowered:
.L_overlay_start_1:
0x0: {  	(tag) =	ssettag $0x1  }
0x1: {  	s4 =	rddreg [dreg:$0x0];
	s1 =	stileid.u32  }
0x2: {  	s8 =	rddreg [dreg:$0x1];
	p0 =	sgt.u32 s1, $0x7  }
.Ltmp0:
0x3: {  	s7 =	rddreg [dreg:$0x2];
	(pc) =	sbr.rel @p0 .LBB2_2-.Ltmp0, $4  }
0x4: {  	s6 =	rddreg [dreg:$0x3]  }
0x5: {  	s3 =	rddreg [dreg:$0x4];
	s2 =	simm.s32 $0x0  }
0x6: {  	[smem:$0x7FF] =	sst s2  }
0x7: {  	s0 =	rddreg [dreg:$0x5];
	_ =	strace $0x80000047  }
0x8: {  	s5 =	sshll.u32 s1, $0x1  }
0x9: {  	[tilespmem:s2], [sflag:$0x1] =	stream.linear.gather [hbm4b:s8+s2], $0x400, $0x38;
	[tilespmem:$0x600] =	vst v63  }
0xa: {  	s26 =	simm.s32 $0x400;
	s28 =	simm.s32 $0x1;
	s4 =	sadd.s32 s4, s5  }
0xb: {  	[tilespmem:s26], [sflag:$0x1] =	stream.linear.gather [hbm4b:s4+s2], $0x10, $0x38;
	[tilespmem:$0x600] =	vst v63  }
0xc: {  	_ =	swait.ge [sflag:s28], $0x400  }
0xd: {  	[sflag:s28] =	ssyncset.done $0x0  }
0xe: {  	[sflag:s28] =	ssyncadd.s32 $0xFFFFFC00  }
0xf: {  	_ =	swait.ge [sflag:s28], $0x10  }
0x10: {  	[sflag:s28] =	ssyncset.done $0x0  }
0x11: {  	[sflag:s28] =	ssyncadd.s32 $0xFFFFFFF0  }
0x12: {  	v0 =	vld [tilespmem:$0x400];
	_ =	sdelay $0x4  }
0x13: {  	v1 =	vmul.f32 v0, v0;
	_ =	sdelay $0x1  }
0x14: {  	v1 =	vadd.f32 $1.000000000e+00, v1;
	_ =	sdelay $0x1  }
0x15: {  	v2 =	vshra.s32 v1, $0x1;
	v1 =	vmul.f32 $5.000000000e-01, v1  }
0x16: {  	v2 =	vsub.s32 $0x5F3759DF, v2  }
0x17: {  	v3 =	vmul.f32 v2, v1;
	_ =	sdelay $0x1  }
0x18: {  	v3 =	vmul.f32 v2, v3;
	_ =	sdelay $0x1  }
0x19: {  	v3 =	vsub.f32 $1.500000000e+00, v3;
	_ =	sdelay $0x1  }
0x1a: {  	v2 =	vmul.f32 v2, v3;
	_ =	sdelay $0x1  }
0x1b: {  	v3 =	vmul.f32 v2, v1;
	_ =	sdelay $0x1  }
0x1c: {  	v3 =	vmul.f32 v3, v2;
	_ =	sdelay $0x1  }
0x1d: {  	v3 =	vsub.f32 $1.500000000e+00, v3;
	_ =	sdelay $0x1  }
0x1e: {  	v2 =	vmul.f32 v3, v2;
	_ =	sdelay $0x1  }
0x1f: {  	v3 =	vmul.f32 v2, v1;
	_ =	sdelay $0x1  }
0x20: {  	v3 =	vmul.f32 v3, v2;
	_ =	sdelay $0x1  }
0x21: {  	v3 =	vsub.f32 $1.500000000e+00, v3;
	_ =	sdelay $0x1  }
0x22: {  	v2 =	vmul.f32 v3, v2;
	_ =	sdelay $0x1  }
0x23: {  	v1 =	vmul.f32 v2, v1;
	_ =	sdelay $0x1  }
0x24: {  	v1 =	vmul.f32 v1, v2;
	_ =	sdelay $0x1  }
0x25: {  	v40 =	vsub.f32 $0.0e+00, v0;
	v1 =	vsub.f32 $1.500000000e+00, v1  }
0x26: {  	v4 =	vimm.s32 $0x1F4  }
0x27: {  	s29 =	simm.s32 $0x480;
	s7 =	sadd.s32 s7, s5;
	[tilespmem:$0x480] =	vst v40;
	v1 =	vmul.f32 v1, v2  }
0x28: {  	[hbm4b:s7+s2] =	stream.linear.scatter [tilespmem:s29], [sflag:$0x1], $0x10, $0x38;
	[tilespmem:$0x600] =	vst v63  }
0x29: {  	s30 =	simm.s32 $0x500;
	s6 =	sadd.s32 s6, s5;
	[tilespmem:$0x500] =	vst v1  }
0x2a: {  	[hbm4b:s6+s2] =	stream.linear.scatter [tilespmem:s30], [sflag:$0x1], $0x10, $0x38;
	[tilespmem:$0x600] =	vst v63  }
0x2b: {  	v1 =	vld.idx.msk [tilespmem:v4+s2+$0x0], $0xffff;
	_ =	sdelay $0x4  }
0x2c: {  	v41 =	vimm.s32 $0xFA;
	vm0 =	vgt.f32 v1, v0  }
0x2d: {  	v1 =	vsel vm0, $0x2EF, v41;
	_ =	sdelay $0x4  }
0x2e: {  	v42 =	vld.idx.msk [tilespmem:v1+s2+$0x0], $0xffff;
	_ =	sdelay $0x4  }
0x2f: {  	v43 =	vimm.s32 $0x0;
	v4 =	vsel vm0, $0x3E9, v4;
	vm1 =	vgt.f32 v42, v0  }
0x30: {  	v44 =	vsel vm0, $0x1F5, v43;
	v45 =	vadd.s32 $0x1, v1;
	v1 =	vsel vm1, v4, v1  }
0x31: {  	v2 =	vsel vm1, v45, v44;
	v46 =	vadd.s32 $0xFFFFFFFF, v1  }
0x32: {  	v3 =	vadd.s32 v46, v2  }
0x33: {  	v3 =	vadd.s32 $0x1, v3  }
0x34: {  	v3 =	vshrl.u32 v3, $0x1;
	_ =	sdelay $0x4  }
0x35: {  	v47 =	vld.idx.msk [tilespmem:v3+s2+$0x0], $0xffff;
	_ =	sdelay $0x4  }
0x36: {  	v48 =	vadd.s32 $0x1, v3;
	vm7 =	vgt.f32 v47, v0  }
0x37: {  	v2 =	vsel vm7, v48, v2;
	v1 =	vsel vm7, v1, v3  }
0x38: {  	v3 =	vxor.u32 v1, v2  }
0x39: {  	v4 =	vand.u32 v1, v2;
	v3 =	vshrl.u32 v3, $0x1  }
0x3a: {  	v3 =	vadd.s32 v3, v4;
	_ =	sdelay $0x4  }
0x3b: {  	v4 =	vld.idx.msk [tilespmem:v3+s2+$0x0], $0xffff;
	_ =	sdelay $0x4  }
0x3c: {  	v49 =	vadd.s32 $0x1, v3;
	vm8 =	vgt.f32 v4, v0  }
0x3d: {  	v2 =	vsel vm8, v49, v2;
	v1 =	vsel vm8, v1, v3  }
0x3e: {  	v3 =	vadd.s32 v1, v2  }
0x3f: {  	v3 =	vshrl.u32 v3, $0x1;
	_ =	sdelay $0x4  }
0x40: {  	v50 =	vld.idx.msk [tilespmem:v3+s2+$0x0], $0xffff;
	_ =	sdelay $0x4  }
0x41: {  	v51 =	vadd.s32 $0x1, v3;
	vm9 =	vgt.f32 v50, v0  }
0x42: {  	v2 =	vsel vm9, v51, v2;
	v1 =	vsel vm9, v1, v3  }
0x43: {  	v3 =	vadd.s32 v1, v2  }
0x44: {  	v3 =	vshrl.u32 v3, $0x1;
	_ =	sdelay $0x4  }
0x45: {  	v52 =	vld.idx.msk [tilespmem:v3+s2+$0x0], $0xffff;
	_ =	sdelay $0x4  }
0x46: {  	v53 =	vadd.s32 $0x1, v3;
	vm10 =	vgt.f32 v52, v0  }
0x47: {  	v2 =	vsel vm10, v53, v2;
	v1 =	vsel vm10, v1, v3  }
0x48: {  	v3 =	vadd.s32 v1, v2  }
0x49: {  	v3 =	vshrl.u32 v3, $0x1;
	_ =	sdelay $0x4  }
0x4a: {  	v54 =	vld.idx.msk [tilespmem:v3+s2+$0x0], $0xffff;
	_ =	sdelay $0x4  }
0x4b: {  	v55 =	vadd.s32 $0x1, v3;
	vm11 =	vgt.f32 v54, v0  }
0x4c: {  	v2 =	vsel vm11, v55, v2;
	v1 =	vsel vm11, v1, v3  }
0x4d: {  	v3 =	vadd.s32 v1, v2  }
0x4e: {  	v3 =	vshrl.u32 v3, $0x1;
	_ =	sdelay $0x4  }
0x4f: {  	v56 =	vld.idx.msk [tilespmem:v3+s2+$0x0], $0xffff;
	_ =	sdelay $0x4  }
0x50: {  	v57 =	vadd.s32 $0x1, v3;
	vm12 =	vgt.f32 v56, v0  }
0x51: {  	v2 =	vsel vm12, v57, v2;
	v1 =	vsel vm12, v1, v3  }
0x52: {  	v3 =	vadd.s32 v1, v2  }
0x53: {  	v3 =	vshrl.u32 v3, $0x1;
	_ =	sdelay $0x4  }
0x54: {  	v58 =	vld.idx.msk [tilespmem:v3+s2+$0x0], $0xffff;
	_ =	sdelay $0x4  }
0x55: {  	v59 =	vadd.s32 $0x1, v3;
	vm13 =	vgt.f32 v58, v0  }
0x56: {  	v2 =	vsel vm13, v59, v2;
	v1 =	vsel vm13, v1, v3  }
0x57: {  	v1 =	vadd.s32 v1, v2  }
0x58: {  	v1 =	vshrl.u32 v1, $0x1;
	_ =	sdelay $0x4  }
0x59: {  	v60 =	vld.idx.msk [tilespmem:v1+s2+$0x0], $0xffff;
	_ =	sdelay $0x4  }
0x5a: {  	v1 =	vadd.s32 $0x1, v1;
	vm14 =	vgt.f32 v60, v0  }
0x5b: {  	v1 =	vsel vm14, v1, v2  }
0x5c: {  	v61 =	vimm.s32 $0x1;
	v62 =	vmax.u32 v1, $0x1;
	v1 =	vmin.u32 v1, $0x3E8  }
0x5d: {  	v2 =	vsub.s32 v62, v61;
	_ =	sdelay $0x3  }
0x5e: {  	v63 =	vld.idx.msk [tilespmem:v1+s2+$0x0], $0xffff  }
0x5f: {  	v3 =	vld.idx.msk [tilespmem:v2+s2+$0x0], $0xffff;
	_ =	sdelay $0x4  }
0x60: {  	v3 =	vsub.f32 v3, v0;
	v0 =	vsub.f32 v0, v63;
	_ =	sdelay $0x1  }
0x61: {  	vm15 =	vle.f32 v3, v0  }
0x62: {  	v0 =	vsel vm15, v2, v1  }
0x63: {  	v0 =	vcvt.s32.f32 v0;
	_ =	sdelay $0x1  }
0x64: {  	v0 =	vsub.f32 $9.990000000e+02, v0;
	_ =	sdelay $0x1  }
0x65: {  	s31 =	simm.s32 $0x580;
	s3 =	sadd.s32 s3, s5;
	[tilespmem:$0x580] =	vst v0  }
0x66: {  	[hbm4b:s3+s2] =	stream.linear.scatter [tilespmem:s31], [sflag:$0x1], $0x10, $0x38;
	[tilespmem:$0x600] =	vst v63  }
0x67: {  	_ =	swait.ge [sflag:s28], $0x10  }
0x68: {  	[sflag:s28] =	ssyncset.done $0x0  }
0x69: {  	[sflag:s28] =	ssyncadd.s32 $0xFFFFFFF0  }
0x6a: {  	_ =	swait.ge [sflag:s28], $0x10  }
0x6b: {  	[sflag:s28] =	ssyncset.done $0x0  }
0x6c: {  	[sflag:s28] =	ssyncadd.s32 $0xFFFFFFF0  }
0x6d: {  	_ =	swait.ge [sflag:s28], $0x10  }
0x6e: {  	[sflag:s28] =	ssyncset.done $0x0  }
0x6f: {  	[sflag:s28] =	ssyncadd.s32 $0xFFFFFFF0  }
.LBB2_2:
0x70: {  	_ =	sfence.sel $0x180000  }
0x71: {  	[bflag:$0x0] =	sbarrier.arrive $0xFFFF  }
0x72: {  	p0 =	sne.s32 s1, $0x0;
	_ =	strace $0x90000047  }
0x73: {  	s0 =	sadd.s32 @!p0 $0x100000, s0;
	[bflag:$0x2] =	sbarrier.arrive $0xFFFF  }
0x74: {  	[sflag:s0] =	ssyncadd.tile.s32 @!p0 $0x1;
	_ =	shalt  }
.Lfunc_end2:
_tile_overlayer_lowered:
.L_overlay_start_2:
0x75: {  	(tag) =	ssettag $0x2  }
0x76: {  	s0 =	rddreg [dreg:$0x0];
	s2 =	stileid.u32  }
0x77: {  	s1 =	rddreg [dreg:$0x1];
	p0 =	sne.s32 s2, $0x0  }
0x78: {  	s3 =	rddreg [dreg:$0x2];
	[bflag:$0x3] =	sbarrier.arrive $0xFFFF;
	s2 =	simm.s32 @!p0 $0x1C02  }
0x79: {  	[timem:s3], [sflag:s2] =	dma.local @!p0 [hbm:s0], s1  }
0x7a: {  	s0 =	simm.s32 @!p0 $0x2  }
0x7b: {  	_ =	swait.ge @!p0 [sflag:s0], s1  }
0x7c: {  	s1 =	ssub.s32 @!p0 $0x0, s1;
	[sflag:s0] =	ssyncset.done @!p0 $0x0  }
0x7d: {  	[sflag:s0] =	ssyncadd.s32 @!p0 s1  }
0x7e: {  	[bflag:$0x3] =	sbarrier.arrive $0xFFFF  }
0x7f: {  	_ =	shalt  }

</sc_bundles>
